<compile_context>
chip_gen: v7x
topology: tpu7x:2x2x1
jax: 0.10.2.dev20260603
libtpu: 0.0.44.dev20260713+nightly
codegen_flags: <defaults>
</compile_context>

<pallas_src>
import functools

import jax
import jax.numpy as jnp
from jax import lax
from jax.experimental import pallas as pl
from jax.experimental.pallas import tpu as pltpu
from jax.experimental.pallas import tpu_sc as plsc

VOCAB = 100000
EMBED_DIM = 128
BATCH = 4096
HIST = 200

N = BATCH * HIST
NC, NS = 2, 16
NW = NC * NS
B_PER_W = N // NW
IW = 128
NIV = B_PER_W // IW
R = IW
NG = B_PER_W // R
NBUF = 4


def _make_kernel():
  mesh = plsc.VectorSubcoreMesh(core_axis_name="c", subcore_axis_name="s")

  @functools.partial(
      pl.kernel,
      mesh=mesh,
      out_type=jax.ShapeDtypeStruct((N, EMBED_DIM), jnp.float32),
      scratch_types=[
          pltpu.VMEM((NIV, IW), jnp.int32),
          pltpu.VMEM((NBUF, R, EMBED_DIM), jnp.float32),
          [pltpu.SemaphoreType.DMA] * NBUF,
          [pltpu.SemaphoreType.DMA] * NBUF,
      ],
  )
  def k(x_hbm, table_hbm, out_hbm, idx_v, rows_v, gsem, wsem):
    wid = lax.axis_index("s") * NC + lax.axis_index("c")
    base = wid * B_PER_W

    pltpu.sync_copy(x_hbm.at[pl.ds(wid * NIV, NIV)], idx_v.at[...])

    def gather(g, b):
      pltpu.async_copy(table_hbm.at[idx_v.at[g]], rows_v.at[b], gsem[b])

    def gather_wait(g, b):
      pltpu.make_async_copy(
          table_hbm.at[idx_v.at[g]], rows_v.at[b], gsem[b]).wait()

    def write(g, b):
      pltpu.async_copy(
          rows_v.at[b], out_hbm.at[pl.ds(base + g * R, R)], wsem[b])

    def write_wait(g, b):
      pltpu.make_async_copy(
          rows_v.at[b], out_hbm.at[pl.ds(base + g * R, R)], wsem[b]).wait()

    for g in range(NBUF - 1):
      gather(g, g)

    def body(g):
      for b in range(NBUF):
        gg = g + b
        pb = (b + NBUF - 1) % NBUF
        @pl.when(gg >= 1)
        def _():
          write_wait(gg - 1, pb)
        @pl.when(gg + NBUF - 1 < NG)
        def _():
          gather(gg + NBUF - 1, pb)
        gather_wait(gg, b)
        write(gg, b)

    pl.loop(0, NG, step=NBUF)(body)

    write_wait(NG - 1, (NG - 1) % NBUF)

  return k


_gather_kernel = _make_kernel()


@jax.jit
def kernel(x, table):
  flat = x.reshape(N // IW, IW).astype(jnp.int32)
  out = _gather_kernel(flat, table)
  return out.reshape(BATCH, HIST, EMBED_DIM)

# --- scband reference (transcript-rebuilt; emitter-appended) ---
"""Pipeline reference for scband-sparse-embedding-2576980378143 (READ-ONLY COPY).

The authoritative reference and input builder live on the scoring server;
editing this copy changes nothing except your own understanding.
"""

import jax, jax.numpy as jnp
import numpy as np

VOCAB = 100000
EMBED_DIM = 128
BATCH = 4096
HIST = 200

def setup_inputs(seed: int = 0) -> dict:
    key = jax.random.key(seed)
    k1, k2 = jax.random.split(key)
    x = jax.random.randint(k1, (BATCH, HIST), 0, VOCAB, dtype=jnp.int64 if jax.config.jax_enable_x64 else jnp.int32)
    table = jax.random.normal(k2, (VOCAB, EMBED_DIM), dtype=jnp.float32)
    return {"x": x, "table": table}

def reference(x, table):
    # Dense (sparse=False) path of SparseEmbedding.forward: self.embedding[x, :]
    return jnp.take(table, x, axis=0)

if __name__ == "__main__":
    import jax
    _d = setup_inputs()
    print(jax.jit(kernel)(*tuple(_d.values())))

</pallas_src>

<mosaic_0001>
#map = affine_map<(d0, d1) -> (0, 0)>
module attributes {stable_mosaic.version = 14 : i64} {
  func.func @k(%arg0: i32, %arg1: i32, %arg2: memref<6400x128xi32, #tpu.memory_space<hbm>>, %arg3: memref<100000x128xf32, #tpu.memory_space<hbm>>, %arg4: memref<819200x128xf32, #tpu.memory_space<hbm>>, %arg5: memref<200x128xi32, #tpu.memory_space<vmem>>, %arg6: memref<4x128x128xf32, #tpu.memory_space<vmem>>, %arg7: memref<!tpu.dma_semaphore, #tpu.memory_space<semaphore_mem>>, %arg8: memref<!tpu.dma_semaphore, #tpu.memory_space<semaphore_mem>>, %arg9: memref<!tpu.dma_semaphore, #tpu.memory_space<semaphore_mem>>, %arg10: memref<!tpu.dma_semaphore, #tpu.memory_space<semaphore_mem>>, %arg11: memref<!tpu.dma_semaphore, #tpu.memory_space<semaphore_mem>>, %arg12: memref<!tpu.dma_semaphore, #tpu.memory_space<semaphore_mem>>, %arg13: memref<!tpu.dma_semaphore, #tpu.memory_space<semaphore_mem>>, %arg14: memref<!tpu.dma_semaphore, #tpu.memory_space<semaphore_mem>>) attributes {dimension_semantics = [#tpu.dimension_semantics<core_parallel>, #tpu.dimension_semantics<subcore_parallel>], iteration_bounds = array<i64: 2, 16>, scalar_prefetch = 0 : i64, scratch_operands = 10 : i64, tpu.core_type = #tpu.core_type<sc_vector_subcore>, window_params = [{transform_indices = #map}, {transform_indices = #map}, {transform_indices = #map}]} {
    %mul3A = arith.constant 2 : i32
    %mul3A_0 = arith.muli %arg1, %mul3A : i32
    %add3A = arith.addi %mul3A_0, %arg0 : i32
    %mul3A_1 = arith.constant 25600 : i32
    %mul3A_2 = arith.muli %add3A, %mul3A_1 : i32
    %mul3A_3 = arith.constant 200 : i32
    %mul3A_4 = arith.muli %add3A, %mul3A_3 : i32
    "tpu.region"() ({
      %run_scoped3A = tpu.sem_alloc : memref<!tpu.dma_semaphore, #tpu.memory_space<semaphore_mem>>
      %dma_start3A_58 = arith.constant 0 : i32
      %dma_start3A_59 = arith.constant 0 : i32
      %dma_start3A_60 = tpu.memref_slice %arg5[%dma_start3A_58, %dma_start3A_59] : memref<200x128xi32, #tpu.memory_space<vmem>> -> memref<200x128xi32, #tpu.memory_space<vmem>>
      %dma_start3A_61 = arith.constant 0 : i32
      %dma_start3A_62 = tpu.memref_slice %arg2[%mul3A_4, %dma_start3A_61] : memref<6400x128xi32, #tpu.memory_space<hbm>> -> memref<200x128xi32, #tpu.memory_space<hbm>>
      %dma_start3A_63 = arith.constant 0 : i32
      %dma_start3A_64 = arith.constant 0 : i32
      %dma_start3A_65 = tpu.memref_slice %arg5[%dma_start3A_63, %dma_start3A_64] : memref<200x128xi32, #tpu.memory_space<vmem>> -> memref<200x128xi32, #tpu.memory_space<vmem>>
      %dma_start3A_66 = arith.constant 0 : i32
      %dma_start3A_67 = tpu.memref_slice %arg2[%mul3A_4, %dma_start3A_66] : memref<6400x128xi32, #tpu.memory_space<hbm>> -> memref<200x128xi32, #tpu.memory_space<hbm>>
      tpu.enqueue_dma source(%dma_start3A_67 : memref<200x128xi32, #tpu.memory_space<hbm>>) target(%dma_start3A_65 : memref<200x128xi32, #tpu.memory_space<vmem>>) target_semaphore(%run_scoped3A : memref<!tpu.dma_semaphore, #tpu.memory_space<semaphore_mem>>)
      %dma_wait3A_68 = arith.constant 0 : i32
      %dma_wait3A_69 = arith.constant 0 : i32
      %dma_wait3A_70 = tpu.memref_slice %arg5[%dma_wait3A_68, %dma_wait3A_69] : memref<200x128xi32, #tpu.memory_space<vmem>> -> memref<200x128xi32, #tpu.memory_space<vmem>>
      %dma_wait3A_71 = arith.constant 0 : i32
      %dma_wait3A_72 = tpu.memref_slice %arg2[%mul3A_4, %dma_wait3A_71] : memref<6400x128xi32, #tpu.memory_space<hbm>> -> memref<200x128xi32, #tpu.memory_space<hbm>>
      %dma_wait3A_73 = arith.constant 0 : i32
      %dma_wait3A_74 = arith.constant 0 : i32
      %dma_wait3A_75 = tpu.memref_slice %arg5[%dma_wait3A_73, %dma_wait3A_74] : memref<200x128xi32, #tpu.memory_space<vmem>> -> memref<200x128xi32, #tpu.memory_space<vmem>>
      %dma_wait3A_76 = arith.constant 0 : i32
      %dma_wait3A_77 = tpu.memref_slice %arg2[%mul3A_4, %dma_wait3A_76] : memref<6400x128xi32, #tpu.memory_space<hbm>> -> memref<200x128xi32, #tpu.memory_space<hbm>>
      tpu.wait_dma2 semaphore(%run_scoped3A : memref<!tpu.dma_semaphore, #tpu.memory_space<semaphore_mem>>) src(%dma_wait3A_77 : memref<200x128xi32, #tpu.memory_space<hbm>>) dst(%dma_wait3A_75 : memref<200x128xi32, #tpu.memory_space<vmem>>)
      tpu.yield
    }) : () -> ()
    %dma_start3A = arith.constant 0 : i32
    %dma_start3A_5 = arith.constant 0 : i32
    %dma_start3A_6 = arith.constant 0 : i32
    %dma_start3A_7 = arith.constant 0 : i32
    %dma_start3A_8 = tpu.memref_slice %arg6[%dma_start3A_5, %dma_start3A_6, %dma_start3A_7] : memref<4x128x128xf32, #tpu.memory_space<vmem>> -> memref<1x128x128xf32, #tpu.memory_space<vmem>>
    %dma_start3A_9 = tpu.memref_squeeze %dma_start3A_8 : memref<1x128x128xf32, #tpu.memory_space<vmem>> -> memref<128x128xf32, #tpu.memory_space<vmem>>
    %dma_start3A_10 = arith.constant 0 : i32
    %dma_start3A_11 = tpu.memref_slice %arg5[%dma_start3A, %dma_start3A_10] : memref<200x128xi32, #tpu.memory_space<vmem>> -> memref<1x128xi32, #tpu.memory_space<vmem>>
    %dma_start3A_12 = tpu.memref_squeeze %dma_start3A_11 : memref<1x128xi32, #tpu.memory_space<vmem>> -> memref<128xi32, #tpu.memory_space<vmem>>
    %dma_start3A_13 = arith.constant 0 : i32
    %dma_start3A_14 = arith.constant 0 : i32
    %dma_start3A_15 = tpu.memref_slice %arg3[%dma_start3A_13, %dma_start3A_14] : memref<100000x128xf32, #tpu.memory_space<hbm>> -> memref<100000x128xf32, #tpu.memory_space<hbm>>
    tpu.enqueue_indirect_dma source(%dma_start3A_15 : memref<100000x128xf32, #tpu.memory_space<hbm>>) target(%dma_start3A_9 : memref<128x128xf32, #tpu.memory_space<vmem>>) offsets(%dma_start3A_12 : memref<128xi32, #tpu.memory_space<vmem>>) semaphore(%arg7 : memref<!tpu.dma_semaphore, #tpu.memory_space<semaphore_mem>>)
    %dma_start3A_16 = arith.constant 1 : i32
    %dma_start3A_17 = arith.constant 1 : i32
    %dma_start3A_18 = arith.constant 0 : i32
    %dma_start3A_19 = arith.constant 0 : i32
    %dma_start3A_20 = tpu.memref_slice %arg6[%dma_start3A_17, %dma_start3A_18, %dma_start3A_19] : memref<4x128x128xf32, #tpu.memory_space<vmem>> -> memref<1x128x128xf32, #tpu.memory_space<vmem>>
    %dma_start3A_21 = tpu.memref_squeeze %dma_start3A_20 : memref<1x128x128xf32, #tpu.memory_space<vmem>> -> memref<128x128xf32, #tpu.memory_space<vmem>>
    %dma_start3A_22 = arith.constant 0 : i32
    %dma_start3A_23 = tpu.memref_slice %arg5[%dma_start3A_16, %dma_start3A_22] : memref<200x128xi32, #tpu.memory_space<vmem>> -> memref<1x128xi32, #tpu.memory_space<vmem>>
    %dma_start3A_24 = tpu.memref_squeeze %dma_start3A_23 : memref<1x128xi32, #tpu.memory_space<vmem>> -> memref<128xi32, #tpu.memory_space<vmem>>
    %dma_start3A_25 = arith.constant 0 : i32
    %dma_start3A_26 = arith.constant 0 : i32
    %dma_start3A_27 = tpu.memref_slice %arg3[%dma_start3A_25, %dma_start3A_26] : memref<100000x128xf32, #tpu.memory_space<hbm>> -> memref<100000x128xf32, #tpu.memory_space<hbm>>
    tpu.enqueue_indirect_dma source(%dma_start3A_27 : memref<100000x128xf32, #tpu.memory_space<hbm>>) target(%dma_start3A_21 : memref<128x128xf32, #tpu.memory_space<vmem>>) offsets(%dma_start3A_24 : memref<128xi32, #tpu.memory_space<vmem>>) semaphore(%arg8 : memref<!tpu.dma_semaphore, #tpu.memory_space<semaphore_mem>>)
    %dma_start3A_28 = arith.constant 2 : i32
    %dma_start3A_29 = arith.constant 2 : i32
    %dma_start3A_30 = arith.constant 0 : i32
    %dma_start3A_31 = arith.constant 0 : i32
    %dma_start3A_32 = tpu.memref_slice %arg6[%dma_start3A_29, %dma_start3A_30, %dma_start3A_31] : memref<4x128x128xf32, #tpu.memory_space<vmem>> -> memref<1x128x128xf32, #tpu.memory_space<vmem>>
    %dma_start3A_33 = tpu.memref_squeeze %dma_start3A_32 : memref<1x128x128xf32, #tpu.memory_space<vmem>> -> memref<128x128xf32, #tpu.memory_space<vmem>>
    %dma_start3A_34 = arith.constant 0 : i32
    %dma_start3A_35 = tpu.memref_slice %arg5[%dma_start3A_28, %dma_start3A_34] : memref<200x128xi32, #tpu.memory_space<vmem>> -> memref<1x128xi32, #tpu.memory_space<vmem>>
    %dma_start3A_36 = tpu.memref_squeeze %dma_start3A_35 : memref<1x128xi32, #tpu.memory_space<vmem>> -> memref<128xi32, #tpu.memory_space<vmem>>
    %dma_start3A_37 = arith.constant 0 : i32
    %dma_start3A_38 = arith.constant 0 : i32
    %dma_start3A_39 = tpu.memref_slice %arg3[%dma_start3A_37, %dma_start3A_38] : memref<100000x128xf32, #tpu.memory_space<hbm>> -> memref<100000x128xf32, #tpu.memory_space<hbm>>
    tpu.enqueue_indirect_dma source(%dma_start3A_39 : memref<100000x128xf32, #tpu.memory_space<hbm>>) target(%dma_start3A_33 : memref<128x128xf32, #tpu.memory_space<vmem>>) offsets(%dma_start3A_36 : memref<128xi32, #tpu.memory_space<vmem>>) semaphore(%arg9 : memref<!tpu.dma_semaphore, #tpu.memory_space<semaphore_mem>>)
    %scan3A = arith.constant 0 : i32
    %scan3A_40 = arith.constant 50 : i32
    %scan3A_41 = arith.addi %scan3A, %scan3A_40 : i32
    %scan3A_42 = arith.constant 1 : i32
    scf.for %scan3A_58 = %scan3A to %scan3A_41 step %scan3A_42  : i32 {
      %mul3A_59 = arith.constant 4 : i32
      %mul3A_60 = arith.muli %scan3A_58, %mul3A_59 : i32
      %add3A_61 = arith.constant 0 : i32
      %add3A_62 = arith.addi %add3A_61, %mul3A_60 : i32
      %add3A_63 = arith.constant 0 : i32
      %add3A_64 = arith.addi %add3A_62, %add3A_63 : i32
      %ge3A = arith.constant 1 : i32
      %ge3A_65 = arith.cmpi sge, %add3A_64, %ge3A : i32
      %convert_element_type3A = arith.extui %ge3A_65 : i1 to i32
      %cond3A = arith.constant 0 : i32
      %cond3A_66 = arith.cmpi ne, %convert_element_type3A, %cond3A : i32
      scf.if %cond3A_66 {
        %sub3A_230 = arith.constant 1 : i32
        %sub3A_231 = arith.subi %add3A_64, %sub3A_230 : i32
        %mul3A_232 = arith.constant 128 : i32
        %mul3A_233 = arith.muli %sub3A_231, %mul3A_232 : i32
        %add3A_234 = arith.addi %mul3A_2, %mul3A_233 : i32
        %dma_wait3A_235 = arith.constant 3 : i32
        %dma_wait3A_236 = arith.constant 0 : i32
        %dma_wait3A_237 = arith.constant 0 : i32
        %dma_wait3A_238 = tpu.memref_slice %arg6[%dma_wait3A_235, %dma_wait3A_236, %dma_wait3A_237] : memref<4x128x128xf32, #tpu.memory_space<vmem>> -> memref<1x128x128xf32, #tpu.memory_space<vmem>>
        %dma_wait3A_239 = tpu.memref_squeeze %dma_wait3A_238 : memref<1x128x128xf32, #tpu.memory_space<vmem>> -> memref<128x128xf32, #tpu.memory_space<vmem>>
        %dma_wait3A_240 = arith.constant 0 : i32
        %dma_wait3A_241 = tpu.memref_slice %arg4[%add3A_234, %dma_wait3A_240] : memref<819200x128xf32, #tpu.memory_space<hbm>> -> memref<128x128xf32, #tpu.memory_space<hbm>>
        %dma_wait3A_242 = arith.constant 0 : i32
        %dma_wait3A_243 = tpu.memref_slice %arg4[%add3A_234, %dma_wait3A_242] : memref<819200x128xf32, #tpu.memory_space<hbm>> -> memref<128x128xf32, #tpu.memory_space<hbm>>
        %dma_wait3A_244 = arith.constant 0 : i32
        %dma_wait3A_245 = arith.constant 0 : i32
        %dma_wait3A_246 = tpu.memref_slice %arg6[%dma_wait3A_235, %dma_wait3A_244, %dma_wait3A_245] : memref<4x128x128xf32, #tpu.memory_space<vmem>> -> memref<1x128x128xf32, #tpu.memory_space<vmem>>
        %dma_wait3A_247 = tpu.memref_squeeze %dma_wait3A_246 : memref<1x128x128xf32, #tpu.memory_space<vmem>> -> memref<128x128xf32, #tpu.memory_space<vmem>>
        tpu.wait_dma2 semaphore(%arg14 : memref<!tpu.dma_semaphore, #tpu.memory_space<semaphore_mem>>) src(%dma_wait3A_247 : memref<128x128xf32, #tpu.memory_space<vmem>>) dst(%dma_wait3A_243 : memref<128x128xf32, #tpu.memory_space<hbm>>)
      } else {
      }
      %add3A_67 = arith.constant 4 : i32
      %add3A_68 = arith.addi %add3A_64, %add3A_67 : i32
      %sub3A = arith.constant 1 : i32
      %sub3A_69 = arith.subi %add3A_68, %sub3A : i32
      %lt3A = arith.constant 200 : i32
      %lt3A_70 = arith.cmpi slt, %sub3A_69, %lt3A : i32
      %convert_element_type3A_71 = arith.extui %lt3A_70 : i1 to i32
      %cond3A_72 = arith.constant 0 : i32
      %cond3A_73 = arith.cmpi ne, %convert_element_type3A_71, %cond3A_72 : i32
      scf.if %cond3A_73 {
        %add3A_230 = arith.constant 4 : i32
        %add3A_231 = arith.addi %add3A_64, %add3A_230 : i32
        %sub3A_232 = arith.constant 1 : i32
        %sub3A_233 = arith.subi %add3A_231, %sub3A_232 : i32
        %dma_start3A_234 = arith.constant 3 : i32
        %dma_start3A_235 = arith.constant 0 : i32
        %dma_start3A_236 = arith.constant 0 : i32
        %dma_start3A_237 = tpu.memref_slice %arg6[%dma_start3A_234, %dma_start3A_235, %dma_start3A_236] : memref<4x128x128xf32, #tpu.memory_space<vmem>> -> memref<1x128x128xf32, #tpu.memory_space<vmem>>
        %dma_start3A_238 = tpu.memref_squeeze %dma_start3A_237 : memref<1x128x128xf32, #tpu.memory_space<vmem>> -> memref<128x128xf32, #tpu.memory_space<vmem>>
        %dma_start3A_239 = arith.constant 0 : i32
        %dma_start3A_240 = tpu.memref_slice %arg5[%sub3A_233, %dma_start3A_239] : memref<200x128xi32, #tpu.memory_space<vmem>> -> memref<1x128xi32, #tpu.memory_space<vmem>>
        %dma_start3A_241 = tpu.memref_squeeze %dma_start3A_240 : memref<1x128xi32, #tpu.memory_space<vmem>> -> memref<128xi32, #tpu.memory_space<vmem>>
        %dma_start3A_242 = arith.constant 0 : i32
        %dma_start3A_243 = arith.constant 0 : i32
        %dma_start3A_244 = tpu.memref_slice %arg3[%dma_start3A_242, %dma_start3A_243] : memref<100000x128xf32, #tpu.memory_space<hbm>> -> memref<100000x128xf32, #tpu.memory_space<hbm>>
        tpu.enqueue_indirect_dma source(%dma_start3A_244 : memref<100000x128xf32, #tpu.memory_space<hbm>>) target(%dma_start3A_238 : memref<128x128xf32, #tpu.memory_space<vmem>>) offsets(%dma_start3A_241 : memref<128xi32, #tpu.memory_space<vmem>>) semaphore(%arg10 : memref<!tpu.dma_semaphore, #tpu.memory_space<semaphore_mem>>)
      } else {
      }
      %dma_wait3A_74 = arith.constant 0 : i32
      %dma_wait3A_75 = arith.constant 0 : i32
      %dma_wait3A_76 = arith.constant 0 : i32
      %dma_wait3A_77 = tpu.memref_slice %arg6[%dma_wait3A_74, %dma_wait3A_75, %dma_wait3A_76] : memref<4x128x128xf32, #tpu.memory_space<vmem>> -> memref<1x128x128xf32, #tpu.memory_space<vmem>>
      %dma_wait3A_78 = tpu.memref_squeeze %dma_wait3A_77 : memref<1x128x128xf32, #tpu.memory_space<vmem>> -> memref<128x128xf32, #tpu.memory_space<vmem>>
      %dma_wait3A_79 = arith.constant 0 : i32
      %dma_wait3A_80 = tpu.memref_slice %arg5[%add3A_64, %dma_wait3A_79] : memref<200x128xi32, #tpu.memory_space<vmem>> -> memref<1x128xi32, #tpu.memory_space<vmem>>
      %dma_wait3A_81 = tpu.memref_squeeze %dma_wait3A_80 : memref<1x128xi32, #tpu.memory_space<vmem>> -> memref<128xi32, #tpu.memory_space<vmem>>
      %dma_wait3A_82 = arith.constant 0 : i32
      %dma_wait3A_83 = arith.constant 0 : i32
      %dma_wait3A_84 = tpu.memref_slice %arg3[%dma_wait3A_82, %dma_wait3A_83] : memref<100000x128xf32, #tpu.memory_space<hbm>> -> memref<100000x128xf32, #tpu.memory_space<hbm>>
      tpu.wait_indirect_dma semaphore(%arg7 : memref<!tpu.dma_semaphore, #tpu.memory_space<semaphore_mem>>) src(%dma_wait3A_84 : memref<100000x128xf32, #tpu.memory_space<hbm>>) dst(%dma_wait3A_78 : memref<128x128xf32, #tpu.memory_space<vmem>>)
      %mul3A_85 = arith.constant 128 : i32
      %mul3A_86 = arith.muli %add3A_64, %mul3A_85 : i32
      %add3A_87 = arith.addi %mul3A_2, %mul3A_86 : i32
      %dma_start3A_88 = arith.constant 0 : i32
      %dma_start3A_89 = arith.constant 0 : i32
      %dma_start3A_90 = arith.constant 0 : i32
      %dma_start3A_91 = tpu.memref_slice %arg6[%dma_start3A_88, %dma_start3A_89, %dma_start3A_90] : memref<4x128x128xf32, #tpu.memory_space<vmem>> -> memref<1x128x128xf32, #tpu.memory_space<vmem>>
      %dma_start3A_92 = tpu.memref_squeeze %dma_start3A_91 : memref<1x128x128xf32, #tpu.memory_space<vmem>> -> memref<128x128xf32, #tpu.memory_space<vmem>>
      %dma_start3A_93 = arith.constant 0 : i32
      %dma_start3A_94 = tpu.memref_slice %arg4[%add3A_87, %dma_start3A_93] : memref<819200x128xf32, #tpu.memory_space<hbm>> -> memref<128x128xf32, #tpu.memory_space<hbm>>
      %dma_start3A_95 = arith.constant 0 : i32
      %dma_start3A_96 = tpu.memref_slice %arg4[%add3A_87, %dma_start3A_95] : memref<819200x128xf32, #tpu.memory_space<hbm>> -> memref<128x128xf32, #tpu.memory_space<hbm>>
      %dma_start3A_97 = arith.constant 0 : i32
      %dma_start3A_98 = arith.constant 0 : i32
      %dma_start3A_99 = tpu.memref_slice %arg6[%dma_start3A_88, %dma_start3A_97, %dma_start3A_98] : memref<4x128x128xf32, #tpu.memory_space<vmem>> -> memref<1x128x128xf32, #tpu.memory_space<vmem>>
      %dma_start3A_100 = tpu.memref_squeeze %dma_start3A_99 : memref<1x128x128xf32, #tpu.memory_space<vmem>> -> memref<128x128xf32, #tpu.memory_space<vmem>>
      tpu.enqueue_dma source(%dma_start3A_100 : memref<128x128xf32, #tpu.memory_space<vmem>>) target(%dma_start3A_96 : memref<128x128xf32, #tpu.memory_space<hbm>>) target_semaphore(%arg11 : memref<!tpu.dma_semaphore, #tpu.memory_space<semaphore_mem>>)
      %add3A_101 = arith.constant 1 : i32
      %add3A_102 = arith.addi %add3A_62, %add3A_101 : i32
      %ge3A_103 = arith.constant 1 : i32
      %ge3A_104 = arith.cmpi sge, %add3A_102, %ge3A_103 : i32
      %convert_element_type3A_105 = arith.extui %ge3A_104 : i1 to i32
      %cond3A_106 = arith.constant 0 : i32
      %cond3A_107 = arith.cmpi ne, %convert_element_type3A_105, %cond3A_106 : i32
      scf.if %cond3A_107 {
        %sub3A_230 = arith.constant 1 : i32
        %sub3A_231 = arith.subi %add3A_102, %sub3A_230 : i32
        %mul3A_232 = arith.constant 128 : i32
        %mul3A_233 = arith.muli %sub3A_231, %mul3A_232 : i32
        %add3A_234 = arith.addi %mul3A_2, %mul3A_233 : i32
        %dma_wait3A_235 = arith.constant 0 : i32
        %dma_wait3A_236 = arith.constant 0 : i32
        %dma_wait3A_237 = arith.constant 0 : i32
        %dma_wait3A_238 = tpu.memref_slice %arg6[%dma_wait3A_235, %dma_wait3A_236, %dma_wait3A_237] : memref<4x128x128xf32, #tpu.memory_space<vmem>> -> memref<1x128x128xf32, #tpu.memory_space<vmem>>
        %dma_wait3A_239 = tpu.memref_squeeze %dma_wait3A_238 : memref<1x128x128xf32, #tpu.memory_space<vmem>> -> memref<128x128xf32, #tpu.memory_space<vmem>>
        %dma_wait3A_240 = arith.constant 0 : i32
        %dma_wait3A_241 = tpu.memref_slice %arg4[%add3A_234, %dma_wait3A_240] : memref<819200x128xf32, #tpu.memory_space<hbm>> -> memref<128x128xf32, #tpu.memory_space<hbm>>
        %dma_wait3A_242 = arith.constant 0 : i32
        %dma_wait3A_243 = tpu.memref_slice %arg4[%add3A_234, %dma_wait3A_242] : memref<819200x128xf32, #tpu.memory_space<hbm>> -> memref<128x128xf32, #tpu.memory_space<hbm>>
        %dma_wait3A_244 = arith.constant 0 : i32
        %dma_wait3A_245 = arith.constant 0 : i32
        %dma_wait3A_246 = tpu.memref_slice %arg6[%dma_wait3A_235, %dma_wait3A_244, %dma_wait3A_245] : memref<4x128x128xf32, #tpu.memory_space<vmem>> -> memref<1x128x128xf32, #tpu.memory_space<vmem>>
        %dma_wait3A_247 = tpu.memref_squeeze %dma_wait3A_246 : memref<1x128x128xf32, #tpu.memory_space<vmem>> -> memref<128x128xf32, #tpu.memory_space<vmem>>
        tpu.wait_dma2 semaphore(%arg11 : memref<!tpu.dma_semaphore, #tpu.memory_space<semaphore_mem>>) src(%dma_wait3A_247 : memref<128x128xf32, #tpu.memory_space<vmem>>) dst(%dma_wait3A_243 : memref<128x128xf32, #tpu.memory_space<hbm>>)
      } else {
      }
      %add3A_108 = arith.constant 4 : i32
      %add3A_109 = arith.addi %add3A_102, %add3A_108 : i32
      %sub3A_110 = arith.constant 1 : i32
      %sub3A_111 = arith.subi %add3A_109, %sub3A_110 : i32
      %lt3A_112 = arith.constant 200 : i32
      %lt3A_113 = arith.cmpi slt, %sub3A_111, %lt3A_112 : i32
      %convert_element_type3A_114 = arith.extui %lt3A_113 : i1 to i32
      %cond3A_115 = arith.constant 0 : i32
      %cond3A_116 = arith.cmpi ne, %convert_element_type3A_114, %cond3A_115 : i32
      scf.if %cond3A_116 {
        %add3A_230 = arith.constant 4 : i32
        %add3A_231 = arith.addi %add3A_102, %add3A_230 : i32
        %sub3A_232 = arith.constant 1 : i32
        %sub3A_233 = arith.subi %add3A_231, %sub3A_232 : i32
        %dma_start3A_234 = arith.constant 0 : i32
        %dma_start3A_235 = arith.constant 0 : i32
        %dma_start3A_236 = arith.constant 0 : i32
        %dma_start3A_237 = tpu.memref_slice %arg6[%dma_start3A_234, %dma_start3A_235, %dma_start3A_236] : memref<4x128x128xf32, #tpu.memory_space<vmem>> -> memref<1x128x128xf32, #tpu.memory_space<vmem>>
        %dma_start3A_238 = tpu.memref_squeeze %dma_start3A_237 : memref<1x128x128xf32, #tpu.memory_space<vmem>> -> memref<128x128xf32, #tpu.memory_space<vmem>>
        %dma_start3A_239 = arith.constant 0 : i32
        %dma_start3A_240 = tpu.memref_slice %arg5[%sub3A_233, %dma_start3A_239] : memref<200x128xi32, #tpu.memory_space<vmem>> -> memref<1x128xi32, #tpu.memory_space<vmem>>
        %dma_start3A_241 = tpu.memref_squeeze %dma_start3A_240 : memref<1x128xi32, #tpu.memory_space<vmem>> -> memref<128xi32, #tpu.memory_space<vmem>>
        %dma_start3A_242 = arith.constant 0 : i32
        %dma_start3A_243 = arith.constant 0 : i32
        %dma_start3A_244 = tpu.memref_slice %arg3[%dma_start3A_242, %dma_start3A_243] : memref<100000x128xf32, #tpu.memory_space<hbm>> -> memref<100000x128xf32, #tpu.memory_space<hbm>>
        tpu.enqueue_indirect_dma source(%dma_start3A_244 : memref<100000x128xf32, #tpu.memory_space<hbm>>) target(%dma_start3A_238 : memref<128x128xf32, #tpu.memory_space<vmem>>) offsets(%dma_start3A_241 : memref<128xi32, #tpu.memory_space<vmem>>) semaphore(%arg7 : memref<!tpu.dma_semaphore, #tpu.memory_space<semaphore_mem>>)
      } else {
      }
      %dma_wait3A_117 = arith.constant 1 : i32
      %dma_wait3A_118 = arith.constant 0 : i32
      %dma_wait3A_119 = arith.constant 0 : i32
      %dma_wait3A_120 = tpu.memref_slice %arg6[%dma_wait3A_117, %dma_wait3A_118, %dma_wait3A_119] : memref<4x128x128xf32, #tpu.memory_space<vmem>> -> memref<1x128x128xf32, #tpu.memory_space<vmem>>
      %dma_wait3A_121 = tpu.memref_squeeze %dma_wait3A_120 : memref<1x128x128xf32, #tpu.memory_space<vmem>> -> memref<128x128xf32, #tpu.memory_space<vmem>>
      %dma_wait3A_122 = arith.constant 0 : i32
      %dma_wait3A_123 = tpu.memref_slice %arg5[%add3A_102, %dma_wait3A_122] : memref<200x128xi32, #tpu.memory_space<vmem>> -> memref<1x128xi32, #tpu.memory_space<vmem>>
      %dma_wait3A_124 = tpu.memref_squeeze %dma_wait3A_123 : memref<1x128xi32, #tpu.memory_space<vmem>> -> memref<128xi32, #tpu.memory_space<vmem>>
      %dma_wait3A_125 = arith.constant 0 : i32
      %dma_wait3A_126 = arith.constant 0 : i32
      %dma_wait3A_127 = tpu.memref_slice %arg3[%dma_wait3A_125, %dma_wait3A_126] : memref<100000x128xf32, #tpu.memory_space<hbm>> -> memref<100000x128xf32, #tpu.memory_space<hbm>>
      tpu.wait_indirect_dma semaphore(%arg8 : memref<!tpu.dma_semaphore, #tpu.memory_space<semaphore_mem>>) src(%dma_wait3A_127 : memref<100000x128xf32, #tpu.memory_space<hbm>>) dst(%dma_wait3A_121 : memref<128x128xf32, #tpu.memory_space<vmem>>)
      %mul3A_128 = arith.constant 128 : i32
      %mul3A_129 = arith.muli %add3A_102, %mul3A_128 : i32
      %add3A_130 = arith.addi %mul3A_2, %mul3A_129 : i32
      %dma_start3A_131 = arith.constant 1 : i32
      %dma_start3A_132 = arith.constant 0 : i32
      %dma_start3A_133 = arith.constant 0 : i32
      %dma_start3A_134 = tpu.memref_slice %arg6[%dma_start3A_131, %dma_start3A_132, %dma_start3A_133] : memref<4x128x128xf32, #tpu.memory_space<vmem>> -> memref<1x128x128xf32, #tpu.memory_space<vmem>>
      %dma_start3A_135 = tpu.memref_squeeze %dma_start3A_134 : memref<1x128x128xf32, #tpu.memory_space<vmem>> -> memref<128x128xf32, #tpu.memory_space<vmem>>
      %dma_start3A_136 = arith.constant 0 : i32
      %dma_start3A_137 = tpu.memref_slice %arg4[%add3A_130, %dma_start3A_136] : memref<819200x128xf32, #tpu.memory_space<hbm>> -> memref<128x128xf32, #tpu.memory_space<hbm>>
      %dma_start3A_138 = arith.constant 0 : i32
      %dma_start3A_139 = tpu.memref_slice %arg4[%add3A_130, %dma_start3A_138] : memref<819200x128xf32, #tpu.memory_space<hbm>> -> memref<128x128xf32, #tpu.memory_space<hbm>>
      %dma_start3A_140 = arith.constant 0 : i32
      %dma_start3A_141 = arith.constant 0 : i32
      %dma_start3A_142 = tpu.memref_slice %arg6[%dma_start3A_131, %dma_start3A_140, %dma_start3A_141] : memref<4x128x128xf32, #tpu.memory_space<vmem>> -> memref<1x128x128xf32, #tpu.memory_space<vmem>>
      %dma_start3A_143 = tpu.memref_squeeze %dma_start3A_142 : memref<1x128x128xf32, #tpu.memory_space<vmem>> -> memref<128x128xf32, #tpu.memory_space<vmem>>
      tpu.enqueue_dma source(%dma_start3A_143 : memref<128x128xf32, #tpu.memory_space<vmem>>) target(%dma_start3A_139 : memref<128x128xf32, #tpu.memory_space<hbm>>) target_semaphore(%arg12 : memref<!tpu.dma_semaphore, #tpu.memory_space<semaphore_mem>>)
      %add3A_144 = arith.constant 2 : i32
      %add3A_145 = arith.addi %add3A_62, %add3A_144 : i32
      %ge3A_146 = arith.constant 1 : i32
      %ge3A_147 = arith.cmpi sge, %add3A_145, %ge3A_146 : i32
      %convert_element_type3A_148 = arith.extui %ge3A_147 : i1 to i32
      %cond3A_149 = arith.constant 0 : i32
      %cond3A_150 = arith.cmpi ne, %convert_element_type3A_148, %cond3A_149 : i32
      scf.if %cond3A_150 {
        %sub3A_230 = arith.constant 1 : i32
        %sub3A_231 = arith.subi %add3A_145, %sub3A_230 : i32
        %mul3A_232 = arith.constant 128 : i32
        %mul3A_233 = arith.muli %sub3A_231, %mul3A_232 : i32
        %add3A_234 = arith.addi %mul3A_2, %mul3A_233 : i32
        %dma_wait3A_235 = arith.constant 1 : i32
        %dma_wait3A_236 = arith.constant 0 : i32
        %dma_wait3A_237 = arith.constant 0 : i32
        %dma_wait3A_238 = tpu.memref_slice %arg6[%dma_wait3A_235, %dma_wait3A_236, %dma_wait3A_237] : memref<4x128x128xf32, #tpu.memory_space<vmem>> -> memref<1x128x128xf32, #tpu.memory_space<vmem>>
        %dma_wait3A_239 = tpu.memref_squeeze %dma_wait3A_238 : memref<1x128x128xf32, #tpu.memory_space<vmem>> -> memref<128x128xf32, #tpu.memory_space<vmem>>
        %dma_wait3A_240 = arith.constant 0 : i32
        %dma_wait3A_241 = tpu.memref_slice %arg4[%add3A_234, %dma_wait3A_240] : memref<819200x128xf32, #tpu.memory_space<hbm>> -> memref<128x128xf32, #tpu.memory_space<hbm>>
        %dma_wait3A_242 = arith.constant 0 : i32
        %dma_wait3A_243 = tpu.memref_slice %arg4[%add3A_234, %dma_wait3A_242] : memref<819200x128xf32, #tpu.memory_space<hbm>> -> memref<128x128xf32, #tpu.memory_space<hbm>>
        %dma_wait3A_244 = arith.constant 0 : i32
        %dma_wait3A_245 = arith.constant 0 : i32
        %dma_wait3A_246 = tpu.memref_slice %arg6[%dma_wait3A_235, %dma_wait3A_244, %dma_wait3A_245] : memref<4x128x128xf32, #tpu.memory_space<vmem>> -> memref<1x128x128xf32, #tpu.memory_space<vmem>>
        %dma_wait3A_247 = tpu.memref_squeeze %dma_wait3A_246 : memref<1x128x128xf32, #tpu.memory_space<vmem>> -> memref<128x128xf32, #tpu.memory_space<vmem>>
        tpu.wait_dma2 semaphore(%arg12 : memref<!tpu.dma_semaphore, #tpu.memory_space<semaphore_mem>>) src(%dma_wait3A_247 : memref<128x128xf32, #tpu.memory_space<vmem>>) dst(%dma_wait3A_243 : memref<128x128xf32, #tpu.memory_space<hbm>>)
      } else {
      }
      %add3A_151 = arith.constant 4 : i32
      %add3A_152 = arith.addi %add3A_145, %add3A_151 : i32
      %sub3A_153 = arith.constant 1 : i32
      %sub3A_154 = arith.subi %add3A_152, %sub3A_153 : i32
      %lt3A_155 = arith.constant 200 : i32
      %lt3A_156 = arith.cmpi slt, %sub3A_154, %lt3A_155 : i32
      %convert_element_type3A_157 = arith.extui %lt3A_156 : i1 to i32
      %cond3A_158 = arith.constant 0 : i32
      %cond3A_159 = arith.cmpi ne, %convert_element_type3A_157, %cond3A_158 : i32
      scf.if %cond3A_159 {
        %add3A_230 = arith.constant 4 : i32
        %add3A_231 = arith.addi %add3A_145, %add3A_230 : i32
        %sub3A_232 = arith.constant 1 : i32
        %sub3A_233 = arith.subi %add3A_231, %sub3A_232 : i32
        %dma_start3A_234 = arith.constant 1 : i32
        %dma_start3A_235 = arith.constant 0 : i32
        %dma_start3A_236 = arith.constant 0 : i32
        %dma_start3A_237 = tpu.memref_slice %arg6[%dma_start3A_234, %dma_start3A_235, %dma_start3A_236] : memref<4x128x128xf32, #tpu.memory_space<vmem>> -> memref<1x128x128xf32, #tpu.memory_space<vmem>>
        %dma_start3A_238 = tpu.memref_squeeze %dma_start3A_237 : memref<1x128x128xf32, #tpu.memory_space<vmem>> -> memref<128x128xf32, #tpu.memory_space<vmem>>
        %dma_start3A_239 = arith.constant 0 : i32
        %dma_start3A_240 = tpu.memref_slice %arg5[%sub3A_233, %dma_start3A_239] : memref<200x128xi32, #tpu.memory_space<vmem>> -> memref<1x128xi32, #tpu.memory_space<vmem>>
        %dma_start3A_241 = tpu.memref_squeeze %dma_start3A_240 : memref<1x128xi32, #tpu.memory_space<vmem>> -> memref<128xi32, #tpu.memory_space<vmem>>
        %dma_start3A_242 = arith.constant 0 : i32
        %dma_start3A_243 = arith.constant 0 : i32
        %dma_start3A_244 = tpu.memref_slice %arg3[%dma_start3A_242, %dma_start3A_243] : memref<100000x128xf32, #tpu.memory_space<hbm>> -> memref<100000x128xf32, #tpu.memory_space<hbm>>
        tpu.enqueue_indirect_dma source(%dma_start3A_244 : memref<100000x128xf32, #tpu.memory_space<hbm>>) target(%dma_start3A_238 : memref<128x128xf32, #tpu.memory_space<vmem>>) offsets(%dma_start3A_241 : memref<128xi32, #tpu.memory_space<vmem>>) semaphore(%arg8 : memref<!tpu.dma_semaphore, #tpu.memory_space<semaphore_mem>>)
      } else {
      }
      %dma_wait3A_160 = arith.constant 2 : i32
      %dma_wait3A_161 = arith.constant 0 : i32
      %dma_wait3A_162 = arith.constant 0 : i32
      %dma_wait3A_163 = tpu.memref_slice %arg6[%dma_wait3A_160, %dma_wait3A_161, %dma_wait3A_162] : memref<4x128x128xf32, #tpu.memory_space<vmem>> -> memref<1x128x128xf32, #tpu.memory_space<vmem>>
      %dma_wait3A_164 = tpu.memref_squeeze %dma_wait3A_163 : memref<1x128x128xf32, #tpu.memory_space<vmem>> -> memref<128x128xf32, #tpu.memory_space<vmem>>
      %dma_wait3A_165 = arith.constant 0 : i32
      %dma_wait3A_166 = tpu.memref_slice %arg5[%add3A_145, %dma_wait3A_165] : memref<200x128xi32, #tpu.memory_space<vmem>> -> memref<1x128xi32, #tpu.memory_space<vmem>>
      %dma_wait3A_167 = tpu.memref_squeeze %dma_wait3A_166 : memref<1x128xi32, #tpu.memory_space<vmem>> -> memref<128xi32, #tpu.memory_space<vmem>>
      %dma_wait3A_168 = arith.constant 0 : i32
      %dma_wait3A_169 = arith.constant 0 : i32
      %dma_wait3A_170 = tpu.memref_slice %arg3[%dma_wait3A_168, %dma_wait3A_169] : memref<100000x128xf32, #tpu.memory_space<hbm>> -> memref<100000x128xf32, #tpu.memory_space<hbm>>
      tpu.wait_indirect_dma semaphore(%arg9 : memref<!tpu.dma_semaphore, #tpu.memory_space<semaphore_mem>>) src(%dma_wait3A_170 : memref<100000x128xf32, #tpu.memory_space<hbm>>) dst(%dma_wait3A_164 : memref<128x128xf32, #tpu.memory_space<vmem>>)
      %mul3A_171 = arith.constant 128 : i32
      %mul3A_172 = arith.muli %add3A_145, %mul3A_171 : i32
      %add3A_173 = arith.addi %mul3A_2, %mul3A_172 : i32
      %dma_start3A_174 = arith.constant 2 : i32
      %dma_start3A_175 = arith.constant 0 : i32
      %dma_start3A_176 = arith.constant 0 : i32
      %dma_start3A_177 = tpu.memref_slice %arg6[%dma_start3A_174, %dma_start3A_175, %dma_start3A_176] : memref<4x128x128xf32, #tpu.memory_space<vmem>> -> memref<1x128x128xf32, #tpu.memory_space<vmem>>
      %dma_start3A_178 = tpu.memref_squeeze %dma_start3A_177 : memref<1x128x128xf32, #tpu.memory_space<vmem>> -> memref<128x128xf32, #tpu.memory_space<vmem>>
      %dma_start3A_179 = arith.constant 0 : i32
      %dma_start3A_180 = tpu.memref_slice %arg4[%add3A_173, %dma_start3A_179] : memref<819200x128xf32, #tpu.memory_space<hbm>> -> memref<128x128xf32, #tpu.memory_space<hbm>>
      %dma_start3A_181 = arith.constant 0 : i32
      %dma_start3A_182 = tpu.memref_slice %arg4[%add3A_173, %dma_start3A_181] : memref<819200x128xf32, #tpu.memory_space<hbm>> -> memref<128x128xf32, #tpu.memory_space<hbm>>
      %dma_start3A_183 = arith.constant 0 : i32
      %dma_start3A_184 = arith.constant 0 : i32
      %dma_start3A_185 = tpu.memref_slice %arg6[%dma_start3A_174, %dma_start3A_183, %dma_start3A_184] : memref<4x128x128xf32, #tpu.memory_space<vmem>> -> memref<1x128x128xf32, #tpu.memory_space<vmem>>
      %dma_start3A_186 = tpu.memref_squeeze %dma_start3A_185 : memref<1x128x128xf32, #tpu.memory_space<vmem>> -> memref<128x128xf32, #tpu.memory_space<vmem>>
      tpu.enqueue_dma source(%dma_start3A_186 : memref<128x128xf32, #tpu.memory_space<vmem>>) target(%dma_start3A_182 : memref<128x128xf32, #tpu.memory_space<hbm>>) target_semaphore(%arg13 : memref<!tpu.dma_semaphore, #tpu.memory_space<semaphore_mem>>)
      %add3A_187 = arith.constant 3 : i32
      %add3A_188 = arith.addi %add3A_62, %add3A_187 : i32
      %ge3A_189 = arith.constant 1 : i32
      %ge3A_190 = arith.cmpi sge, %add3A_188, %ge3A_189 : i32
      %convert_element_type3A_191 = arith.extui %ge3A_190 : i1 to i32
      %cond3A_192 = arith.constant 0 : i32
      %cond3A_193 = arith.cmpi ne, %convert_element_type3A_191, %cond3A_192 : i32
      scf.if %cond3A_193 {
        %sub3A_230 = arith.constant 1 : i32
        %sub3A_231 = arith.subi %add3A_188, %sub3A_230 : i32
        %mul3A_232 = arith.constant 128 : i32
        %mul3A_233 = arith.muli %sub3A_231, %mul3A_232 : i32
        %add3A_234 = arith.addi %mul3A_2, %mul3A_233 : i32
        %dma_wait3A_235 = arith.constant 2 : i32
        %dma_wait3A_236 = arith.constant 0 : i32
        %dma_wait3A_237 = arith.constant 0 : i32
        %dma_wait3A_238 = tpu.memref_slice %arg6[%dma_wait3A_235, %dma_wait3A_236, %dma_wait3A_237] : memref<4x128x128xf32, #tpu.memory_space<vmem>> -> memref<1x128x128xf32, #tpu.memory_space<vmem>>
        %dma_wait3A_239 = tpu.memref_squeeze %dma_wait3A_238 : memref<1x128x128xf32, #tpu.memory_space<vmem>> -> memref<128x128xf32, #tpu.memory_space<vmem>>
        %dma_wait3A_240 = arith.constant 0 : i32
        %dma_wait3A_241 = tpu.memref_slice %arg4[%add3A_234, %dma_wait3A_240] : memref<819200x128xf32, #tpu.memory_space<hbm>> -> memref<128x128xf32, #tpu.memory_space<hbm>>
        %dma_wait3A_242 = arith.constant 0 : i32
        %dma_wait3A_243 = tpu.memref_slice %arg4[%add3A_234, %dma_wait3A_242] : memref<819200x128xf32, #tpu.memory_space<hbm>> -> memref<128x128xf32, #tpu.memory_space<hbm>>
        %dma_wait3A_244 = arith.constant 0 : i32
        %dma_wait3A_245 = arith.constant 0 : i32
        %dma_wait3A_246 = tpu.memref_slice %arg6[%dma_wait3A_235, %dma_wait3A_244, %dma_wait3A_245] : memref<4x128x128xf32, #tpu.memory_space<vmem>> -> memref<1x128x128xf32, #tpu.memory_space<vmem>>
        %dma_wait3A_247 = tpu.memref_squeeze %dma_wait3A_246 : memref<1x128x128xf32, #tpu.memory_space<vmem>> -> memref<128x128xf32, #tpu.memory_space<vmem>>
        tpu.wait_dma2 semaphore(%arg13 : memref<!tpu.dma_semaphore, #tpu.memory_space<semaphore_mem>>) src(%dma_wait3A_247 : memref<128x128xf32, #tpu.memory_space<vmem>>) dst(%dma_wait3A_243 : memref<128x128xf32, #tpu.memory_space<hbm>>)
      } else {
      }
      %add3A_194 = arith.constant 4 : i32
      %add3A_195 = arith.addi %add3A_188, %add3A_194 : i32
      %sub3A_196 = arith.constant 1 : i32
      %sub3A_197 = arith.subi %add3A_195, %sub3A_196 : i32
      %lt3A_198 = arith.constant 200 : i32
      %lt3A_199 = arith.cmpi slt, %sub3A_197, %lt3A_198 : i32
      %convert_element_type3A_200 = arith.extui %lt3A_199 : i1 to i32
      %cond3A_201 = arith.constant 0 : i32
      %cond3A_202 = arith.cmpi ne, %convert_element_type3A_200, %cond3A_201 : i32
      scf.if %cond3A_202 {
        %add3A_230 = arith.constant 4 : i32
        %add3A_231 = arith.addi %add3A_188, %add3A_230 : i32
        %sub3A_232 = arith.constant 1 : i32
        %sub3A_233 = arith.subi %add3A_231, %sub3A_232 : i32
        %dma_start3A_234 = arith.constant 2 : i32
        %dma_start3A_235 = arith.constant 0 : i32
        %dma_start3A_236 = arith.constant 0 : i32
        %dma_start3A_237 = tpu.memref_slice %arg6[%dma_start3A_234, %dma_start3A_235, %dma_start3A_236] : memref<4x128x128xf32, #tpu.memory_space<vmem>> -> memref<1x128x128xf32, #tpu.memory_space<vmem>>
        %dma_start3A_238 = tpu.memref_squeeze %dma_start3A_237 : memref<1x128x128xf32, #tpu.memory_space<vmem>> -> memref<128x128xf32, #tpu.memory_space<vmem>>
        %dma_start3A_239 = arith.constant 0 : i32
        %dma_start3A_240 = tpu.memref_slice %arg5[%sub3A_233, %dma_start3A_239] : memref<200x128xi32, #tpu.memory_space<vmem>> -> memref<1x128xi32, #tpu.memory_space<vmem>>
        %dma_start3A_241 = tpu.memref_squeeze %dma_start3A_240 : memref<1x128xi32, #tpu.memory_space<vmem>> -> memref<128xi32, #tpu.memory_space<vmem>>
        %dma_start3A_242 = arith.constant 0 : i32
        %dma_start3A_243 = arith.constant 0 : i32
        %dma_start3A_244 = tpu.memref_slice %arg3[%dma_start3A_242, %dma_start3A_243] : memref<100000x128xf32, #tpu.memory_space<hbm>> -> memref<100000x128xf32, #tpu.memory_space<hbm>>
        tpu.enqueue_indirect_dma source(%dma_start3A_244 : memref<100000x128xf32, #tpu.memory_space<hbm>>) target(%dma_start3A_238 : memref<128x128xf32, #tpu.memory_space<vmem>>) offsets(%dma_start3A_241 : memref<128xi32, #tpu.memory_space<vmem>>) semaphore(%arg9 : memref<!tpu.dma_semaphore, #tpu.memory_space<semaphore_mem>>)
      } else {
      }
      %dma_wait3A_203 = arith.constant 3 : i32
      %dma_wait3A_204 = arith.constant 0 : i32
      %dma_wait3A_205 = arith.constant 0 : i32
      %dma_wait3A_206 = tpu.memref_slice %arg6[%dma_wait3A_203, %dma_wait3A_204, %dma_wait3A_205] : memref<4x128x128xf32, #tpu.memory_space<vmem>> -> memref<1x128x128xf32, #tpu.memory_space<vmem>>
      %dma_wait3A_207 = tpu.memref_squeeze %dma_wait3A_206 : memref<1x128x128xf32, #tpu.memory_space<vmem>> -> memref<128x128xf32, #tpu.memory_space<vmem>>
      %dma_wait3A_208 = arith.constant 0 : i32
      %dma_wait3A_209 = tpu.memref_slice %arg5[%add3A_188, %dma_wait3A_208] : memref<200x128xi32, #tpu.memory_space<vmem>> -> memref<1x128xi32, #tpu.memory_space<vmem>>
      %dma_wait3A_210 = tpu.memref_squeeze %dma_wait3A_209 : memref<1x128xi32, #tpu.memory_space<vmem>> -> memref<128xi32, #tpu.memory_space<vmem>>
      %dma_wait3A_211 = arith.constant 0 : i32
      %dma_wait3A_212 = arith.constant 0 : i32
      %dma_wait3A_213 = tpu.memref_slice %arg3[%dma_wait3A_211, %dma_wait3A_212] : memref<100000x128xf32, #tpu.memory_space<hbm>> -> memref<100000x128xf32, #tpu.memory_space<hbm>>
      tpu.wait_indirect_dma semaphore(%arg10 : memref<!tpu.dma_semaphore, #tpu.memory_space<semaphore_mem>>) src(%dma_wait3A_213 : memref<100000x128xf32, #tpu.memory_space<hbm>>) dst(%dma_wait3A_207 : memref<128x128xf32, #tpu.memory_space<vmem>>)
      %mul3A_214 = arith.constant 128 : i32
      %mul3A_215 = arith.muli %add3A_188, %mul3A_214 : i32
      %add3A_216 = arith.addi %mul3A_2, %mul3A_215 : i32
      %dma_start3A_217 = arith.constant 3 : i32
      %dma_start3A_218 = arith.constant 0 : i32
      %dma_start3A_219 = arith.constant 0 : i32
      %dma_start3A_220 = tpu.memref_slice %arg6[%dma_start3A_217, %dma_start3A_218, %dma_start3A_219] : memref<4x128x128xf32, #tpu.memory_space<vmem>> -> memref<1x128x128xf32, #tpu.memory_space<vmem>>
      %dma_start3A_221 = tpu.memref_squeeze %dma_start3A_220 : memref<1x128x128xf32, #tpu.memory_space<vmem>> -> memref<128x128xf32, #tpu.memory_space<vmem>>
      %dma_start3A_222 = arith.constant 0 : i32
      %dma_start3A_223 = tpu.memref_slice %arg4[%add3A_216, %dma_start3A_222] : memref<819200x128xf32, #tpu.memory_space<hbm>> -> memref<128x128xf32, #tpu.memory_space<hbm>>
      %dma_start3A_224 = arith.constant 0 : i32
      %dma_start3A_225 = tpu.memref_slice %arg4[%add3A_216, %dma_start3A_224] : memref<819200x128xf32, #tpu.memory_space<hbm>> -> memref<128x128xf32, #tpu.memory_space<hbm>>
      %dma_start3A_226 = arith.constant 0 : i32
      %dma_start3A_227 = arith.constant 0 : i32
      %dma_start3A_228 = tpu.memref_slice %arg6[%dma_start3A_217, %dma_start3A_226, %dma_start3A_227] : memref<4x128x128xf32, #tpu.memory_space<vmem>> -> memref<1x128x128xf32, #tpu.memory_space<vmem>>
      %dma_start3A_229 = tpu.memref_squeeze %dma_start3A_228 : memref<1x128x128xf32, #tpu.memory_space<vmem>> -> memref<128x128xf32, #tpu.memory_space<vmem>>
      tpu.enqueue_dma source(%dma_start3A_229 : memref<128x128xf32, #tpu.memory_space<vmem>>) target(%dma_start3A_225 : memref<128x128xf32, #tpu.memory_space<hbm>>) target_semaphore(%arg14 : memref<!tpu.dma_semaphore, #tpu.memory_space<semaphore_mem>>)
    }
    %scan3A_43 = arith.constant 50 : i32
    %add3A_44 = arith.constant 25472 : i32
    %add3A_45 = arith.addi %mul3A_2, %add3A_44 : i32
    %dma_wait3A = arith.constant 3 : i32
    %dma_wait3A_46 = arith.constant 0 : i32
    %dma_wait3A_47 = arith.constant 0 : i32
    %dma_wait3A_48 = tpu.memref_slice %arg6[%dma_wait3A, %dma_wait3A_46, %dma_wait3A_47] : memref<4x128x128xf32, #tpu.memory_space<vmem>> -> memref<1x128x128xf32, #tpu.memory_space<vmem>>
    %dma_wait3A_49 = tpu.memref_squeeze %dma_wait3A_48 : memref<1x128x128xf32, #tpu.memory_space<vmem>> -> memref<128x128xf32, #tpu.memory_space<vmem>>
    %dma_wait3A_50 = arith.constant 0 : i32
    %dma_wait3A_51 = tpu.memref_slice %arg4[%add3A_45, %dma_wait3A_50] : memref<819200x128xf32, #tpu.memory_space<hbm>> -> memref<128x128xf32, #tpu.memory_space<hbm>>
    %dma_wait3A_52 = arith.constant 0 : i32
    %dma_wait3A_53 = tpu.memref_slice %arg4[%add3A_45, %dma_wait3A_52] : memref<819200x128xf32, #tpu.memory_space<hbm>> -> memref<128x128xf32, #tpu.memory_space<hbm>>
    %dma_wait3A_54 = arith.constant 0 : i32
    %dma_wait3A_55 = arith.constant 0 : i32
    %dma_wait3A_56 = tpu.memref_slice %arg6[%dma_wait3A, %dma_wait3A_54, %dma_wait3A_55] : memref<4x128x128xf32, #tpu.memory_space<vmem>> -> memref<1x128x128xf32, #tpu.memory_space<vmem>>
    %dma_wait3A_57 = tpu.memref_squeeze %dma_wait3A_56 : memref<1x128x128xf32, #tpu.memory_space<vmem>> -> memref<128x128xf32, #tpu.memory_space<vmem>>
    tpu.wait_dma2 semaphore(%arg14 : memref<!tpu.dma_semaphore, #tpu.memory_space<semaphore_mem>>) src(%dma_wait3A_57 : memref<128x128xf32, #tpu.memory_space<vmem>>) dst(%dma_wait3A_53 : memref<128x128xf32, #tpu.memory_space<hbm>>)
    return
  }
}

</mosaic_0001>

<sc_bundles>
// kernel: kernel.3.cloned.1.call-start
scs
__scs_entry_jumppad:
0x0: {  	(pc) =	sbr.rel $0x88, $3  }
0x1: {  	(tag) =	ssettag $0x0;
	lr =	simm.s32 $0x1  }
0x2: {  	[smem:$0x3F9F] =	sst lr;
	_ =	strace $0xD0000000  }
0x3: {  	_ = 	snop  }
0x4: {  	_ = 	snop  }
0x5: {  	_ = 	snop  }
0x6: {  	_ = 	snop  }
0x7: {  	_ = 	snop  }
__scs_overlays_trampoline_lowered:
0x8: {  	[smem:$0x3FAE] =	sst s0  }
0x9: {  	[smem:$0x3FAF] =	sst s1  }
0xa: {  	[smem:$0x3FB0] =	sst s2  }
0xb: {  	[smem:$0x3FB1] =	sst s3  }
0xc: {  	[smem:$0x3FB2] =	sst s4  }
0xd: {  	[smem:$0x3FB3] =	sst s5  }
0xe: {  	[smem:$0x3FB4] =	sst s6  }
0xf: {  	[smem:$0x3FB5] =	sst s7  }
0x10: {  	[smem:$0x3FB6] =	sst s8  }
0x11: {  	[smem:$0x3FB7] =	sst s9;
	s0 =	simm.s32 @!p0 $0x0  }
0x12: {  	s1 =	sld [smem:$0x3F9D];
	s0 =	simm.s32 @p0 $0x1  }
0x13: {  	[smem:$0x3FB8] =	sst s0;
	s0 =	simm.s32 @!p1 $0x0  }
0x14: {  	s2 =	sld [smem:$0x3F9C];
	s0 =	simm.s32 @p1 $0x1  }
0x15: {  	[smem:$0x3FB9] =	sst s0;
	s0 =	simm.s32 @!p2 $0x0  }
0x16: {  	s3 =	sld [smem:$0x3FDB];
	s0 =	simm.s32 @p2 $0x1  }
0x17: {  	s4 =	simm.s32 $0x1BF5;
	[smem:$0x3FBB] =	sst s0  }
0x18: {  	s0 =	sld [smem:$0x3F9E];
	_ =	swait.ge [sflag:s4], $0x0  }
0x19: {  	s7 =	sld [smem:$0x3F9F]  }
0x1a: {  	s8 =	sadd.s32 $0xFFFFE003, lr  }
0x1b: {  	s9 =	sadd.s32 $0xFFFFFEF7, lr;
	s5 =	simm.s32 $0xFFFFFFFF;
	p2 =	slt.u32 s8, $0xFFFFF086  }
0x1c: {  	p1 =	slt.u32 s9, $0xF7A;
	s5 =	simm.s32 @!p2 $0x0  }
0x1d: {  	s5 =	simm.s32 @p1 $0x1;
	p0 =	seq.s32 s7, s2  }
0x1e: {  	s7 =	smul.u32 @!p0 $0xF7A, s2;
	p2 =	seq.s32 @!p0 s5, $0x0  }
0x1f: {  	s9 =	smul.u32 $0xF7A, s1;
	s8 =	simm.s32 @!p0 $0x1BF5;
	p2 =	por !p2, p0  }
0x20: {  	[sflag:s8] =	ssyncset.s32 @!p0 $0xFFFFF086;
	s6 =	sadd.s32 @!p0 s3, s7;
	s7 =	simm.s32 @!p0 $0x108  }
0x21: {  	s3 =	sadd.s32 s3, s9;
	s6 =	sadd.s32 @!p0 $0x88, s6;
	s7 =	simm.s32 @p2 $0x1082  }
0x22: {  	[simem:s7], [sflag:s8] =	dma.local @!p0 [hbm:s6], $0xF7A  }
0x23: {  	s9 =	sor.u32 $0xD0000000, s2;
	s6 =	simm.s32 $0x108;
	_ =	swait.ge @!p0 [sflag:s8], $0x0  }
0x24: {  	s3 =	sadd.s32 $0x88, s3;
	s6 =	simm.s32 @!p1 $0x1082;
	[sflag:s4] =	ssyncset.s32 $0xFFFFF086  }
0x25: {  	[simem:s6], [sflag:s4] =	dma.local [hbm:s3], $0xF7A  }
0x26: {  	[smem:$0x3F9F] =	sst s1;
	(tag) =	ssettag s2;
	_ =	strace s9  }
0x27: {  	s1 =	sld [smem:$0x3FAF]  }
0x28: {  	s2 =	sld [smem:$0x3FB0]  }
0x29: {  	s4 =	sld [smem:$0x3FB2]  }
0x2a: {  	p0 =	seq.s32 s5, $0x0;
	s5 =	sld [smem:$0x3FB3]  }
0x2b: {  	s6 =	sld [smem:$0x3FB4]  }
0x2c: {  	s7 =	sld [smem:$0x3FB5]  }
0x2d: {  	s3 =	simm.s32 $0x108;
	s8 =	sld [smem:$0x3FB6]  }
0x2e: {  	s3 =	simm.s32 @!p0 $0x1082;
	s9 =	sld [smem:$0x3FB7]  }
0x2f: {  	lr =	sadd.s32 s0, s3;
	s0 =	sld [smem:$0x3FAE]  }
0x30: {  	s3 =	sld [smem:$0x3FB1]  }
0x31: {  	[smem:$0x3FBA] =	sst s10  }
0x32: {  	s10 =	sld [smem:$0x3FB8];
	_ =	sdelay $0x3  }
0x33: {  	p0 =	seq.s32 s10, $0x1;
	s10 =	sld [smem:$0x3FBA];
	_ =	sdelay $0x3  }
0x34: {  	[smem:$0x3FBA] =	sst s10  }
0x35: {  	s10 =	sld [smem:$0x3FB9];
	_ =	sdelay $0x3  }
0x36: {  	p1 =	seq.s32 s10, $0x1;
	s10 =	sld [smem:$0x3FBA];
	_ =	sdelay $0x3  }
0x37: {  	[smem:$0x3FBA] =	sst s10  }
0x38: {  	s10 =	sld [smem:$0x3FBB]  }
0x39: {  	_ = 	snop;
	(pc) =	sbr.ind lr, $3  }
0x3a: {  	_ = 	snop  }
0x3b: {  	_ = 	snop  }
0x3c: {  	p2 =	seq.s32 s10, $0x1;
	s10 =	sld [smem:$0x3FBA]  }
0x3d: {  	_ =	shalt  }
0x3e: {  	_ =	shalt  }
0x3f: {  	_ =	shalt  }
0x40: {  	_ =	shalt  }
0x41: {  	_ =	shalt  }
0x42: {  	_ =	shalt  }
0x43: {  	_ =	shalt  }
0x44: {  	_ =	shalt  }
0x45: {  	_ =	shalt  }
0x46: {  	_ =	shalt  }
0x47: {  	_ =	shalt  }
0x48: {  	_ =	shalt  }
0x49: {  	_ =	shalt  }
0x4a: {  	_ =	shalt  }
0x4b: {  	_ =	shalt  }
0x4c: {  	_ =	shalt  }
0x4d: {  	_ =	shalt  }
0x4e: {  	_ =	shalt  }
0x4f: {  	_ =	shalt  }
0x50: {  	_ =	shalt  }
0x51: {  	_ =	shalt  }
0x52: {  	_ =	shalt  }
0x53: {  	_ =	shalt  }
0x54: {  	_ =	shalt  }
0x55: {  	_ =	shalt  }
0x56: {  	_ =	shalt  }
0x57: {  	_ =	shalt  }
0x58: {  	_ =	shalt  }
0x59: {  	_ =	shalt  }
0x5a: {  	_ =	shalt  }
0x5b: {  	_ =	shalt  }
0x5c: {  	_ =	shalt  }
0x5d: {  	_ =	shalt  }
0x5e: {  	_ =	shalt  }
0x5f: {  	_ =	shalt  }
0x60: {  	_ =	shalt  }
0x61: {  	_ =	shalt  }
0x62: {  	_ =	shalt  }
0x63: {  	_ =	shalt  }
0x64: {  	_ =	shalt  }
0x65: {  	_ =	shalt  }
0x66: {  	_ =	shalt  }
0x67: {  	_ =	shalt  }
0x68: {  	_ =	shalt  }
0x69: {  	_ =	shalt  }
0x6a: {  	_ =	shalt  }
0x6b: {  	_ =	shalt  }
0x6c: {  	_ =	shalt  }
0x6d: {  	_ =	shalt  }
0x6e: {  	_ =	shalt  }
0x6f: {  	_ =	shalt  }
0x70: {  	_ =	shalt  }
0x71: {  	_ =	shalt  }
0x72: {  	_ =	shalt  }
0x73: {  	_ =	shalt  }
0x74: {  	_ =	shalt  }
0x75: {  	_ =	shalt  }
0x76: {  	_ =	shalt  }
0x77: {  	_ =	shalt  }
0x78: {  	_ =	shalt  }
0x79: {  	_ =	shalt  }
0x7a: {  	_ =	shalt  }
0x7b: {  	_ =	shalt  }
0x7c: {  	_ =	shalt  }
0x7d: {  	_ =	shalt  }
0x7e: {  	_ =	shalt  }
0x7f: {  	_ =	shalt  }
0x80: {  	_ =	shalt  }
0x81: {  	_ =	shalt  }
0x82: {  	_ =	shalt  }
0x83: {  	_ =	shalt  }
0x84: {  	_ =	shalt  }
0x85: {  	_ =	shalt  }
0x86: {  	_ =	shalt  }
0x87: {  	_ =	shalt  }
.Lfunc_end0:
.L_simem_size_0:
called_computation_lowered:
.L_overlay_start_0:
0x88: {  	s2 =	sld [smem:$0x3FD9]  }
0x89: {  	s3 =	sld [smem:$0x3FFE];
	_ =	sdelay $0x1  }
0x8a: {  	s1 =	srdreg.scid  }
0x8b: {  	s0 =	sand.u32 $0x1, s1  }
0x8c: {  	s17 =	sshll.u32 s0, $0xA;
	s2 =	sadd.s32 s3, s2  }
0x8d: {  	s2 =	sadd.s32 s2, s17  }
0x8e: {  	[smem:$0x3FC6] =	sst s2  }
0x8f: {  	_ = 	snop  }
0x90: {  	s2 =	sld [smem:$0x3FC8]  }
0x91: {  	s18 =	sld [smem:$0x3FD0];
	(tm) =	ssettm $0x1  }
0x92: {  	s4 =	sld [smem:$0x3FFB];
	_ =	sdelay $0x3  }
0x93: {  	_ =	strace s4  }
0x94: {  	s4 =	sld [smem:$0x3FFC];
	_ =	sdelay $0x3  }
0x95: {  	_ =	strace s4  }
0x96: {  	s4 =	sld [smem:$0x3FFD];
	_ =	sdelay $0x3  }
0x97: {  	_ =	strace s4  }
0x98: {  	_ =	strace $0x8FFFFFFF  }
0x99: {  	s19 =	sld [smem:$0x3FDB];
	_ =	sdelay $0x1  }
0x9a: {  	s5 =	simm.s32 $_scs_section_size  }
0x9b: {  	s6 =	simm.s32 $_size__tile_overlayer_lowered;
	s7 =	simm.s32 $_tile_overlayer_lowered  }
0x9c: {  	s22 =	simm.s32 $0x1BFF;
	s21 =	sshll.u32 s7, $0x1;
	s4 =	sadd.s32 s5, s19  }
0x9d: {  	s8 =	simm.s32 $0x0;
	s20 =	sshll.u32 s6, $0x1;
	s6 =	sadd.s32 s21, s4  }
0x9e: {  	[timem:s8], [sflag:s22] =	dma.local [hbm:s6], s20  }
0x9f: {  	_ =	swait.ge [sflag:s22], s20  }
0xa0: {  	s5 =	ssub.s32 $0x0, s20;
	[sflag:s22] =	ssyncset.done $0x0  }
0xa1: {  	[sflag:s22] =	ssyncadd.s32 s5;
	_ =	sdelay $0x1  }
0xa2: {  	s23 =	simm.s32 $0x1B8B  }
0xa3: {  	_ =	swait.ge [sflag:s23], $0x1  }
0xa4: {  	[sflag:s23] =	ssyncset.done $0x0  }
0xa5: {  	s25 =	simm.s32 $0x1B8E;
	s24 =	sld [smem:$0x3FFE];
	[sflag:s23] =	ssyncadd.s32 $0xFFFFFFFF  }
0xa6: {  	s26 =	simm.s32 $execute0_lowered;
	[smem:$0x3FD2] =	sst s25  }
0xa7: {  	s6 =	sshll.u32 s26, $0x1;
	_ =	strace $0x80000046;
	[dreg:$0x1] =	wrdreg $0xFFFFFFFF  }
0xa8: {  	s28 =	simm.s32 $_size_execute0_lowered;
	s4 =	sadd.s32 s4, s6;
	[dreg:$0x0] =	wrdreg $0x0  }
0xa9: {  	s6 =	sshll.u32 s28, $0x1;
	[dreg:$0x2] =	wrdreg s4  }
0xaa: {  	[dreg:$0x3] =	wrdreg s6  }
0xab: {  	[dreg:$0x4] =	wrdreg $0xC0  }
0xac: {  	_ =	task [dreg:s8], $0x5FFFF  }
0xad: {  	[dreg:$0x1] =	wrdreg $0xFFFFFFFF  }
0xae: {  	[dreg:$0x0] =	wrdreg $0x60  }
0xaf: {  	[dreg:$0x2] =	wrdreg s24  }
0xb0: {  	[dreg:$0x3] =	wrdreg s2  }
0xb1: {  	[dreg:$0x4] =	wrdreg s18  }
0xb2: {  	[dreg:$0x5] =	wrdreg $0x9  }
0xb3: {  	_ =	task.clear_ibuf [dreg:s8], $0x6FFFF;
	_ =	strace $0x90000046  }
0xb4: {  	s29 =	simm.s32 $0x9;
	_ =	strace $0x80000048  }
0xb5: {  	_ =	swait.ge [sflag:s29], $0x1  }
0xb6: {  	[sflag:s29] =	ssyncadd.s32 $0xFFFFFFFF  }
0xb7: {  	_ =	strace $0x90000048  }
0xb8: {  	_ =	sfence  }
0xb9: {  	s30 =	sld [smem:$0x0];
	_ =	sdelay $0x2  }
0xba: {  	s31 =	sshll.u32 s1, $0xD;
	s1 =	sshrl.u32 s1, $0x2  }
0xbb: {  	s3 =	sand.u32 $0x4000, s31;
	s1 =	sadd.s32 s1, s30  }
0xbc: {  	s0 =	sor.u32 s3, s0;
	s1 =	sshll.u32 s1, $0x11  }
0xbd: {  	s0 =	sor.u32 s1, s0  }
0xbe: {  	s0 =	sadd.s32 $0x8F2B, s0  }
0xbf: {  	[sflag:s0] =	ssyncadd.remote.s32 $0x1  }
0xc0: {  	_ =	sfence.sel $0xFFFF  }
0xc1: {  	[dreg:$0x0] =	wrdreg $0xFFFFFFFF;
	(pc) =	sbr.abs _section_cstart, $3  }
0xc2: {  	[dreg:$0x1] =	wrdreg $0xFFFFFFFF  }
0xc3: {  	_ =	task.clear_ibuf [dreg:s8], $0x2FFFF;
	_ =	strace $0x9FFFFFFF  }
0xc4: {  	(tm) =	ssettm $0x7FFFFFFF  }
0xc5: {  	_ =	shalt  }
tec
execute0_lowered:
.L_overlay_start_1:
0x0: {  	(tag) =	ssettag $0x1  }
0x1: {  	s4 =	rddreg [dreg:$0x0]  }
0x2: {  	s2 =	rddreg [dreg:$0x1];
	s1 =	srdreg.scid  }
0x3: {  	s0 =	stileid.u32;
	s8 =	rddreg [dreg:$0x2]  }
0x4: {  	s3 =	simm.s32 $0x0;
	s11 =	simm.s32 $0x6400;
	s12 =	simm.s32 $0xA400  }
0x5: {  	s14 =	simm.s32 $0xE400;
	s15 =	simm.s32 $0x12400;
	s16 =	simm.s32 $0x1  }
0x6: {  	s17 =	simm.s32 $0x5;
	s18 =	simm.s32 $0x2;
	s19 =	simm.s32 $0x6  }
0x7: {  	s20 =	simm.s32 $0x3;
	s21 =	simm.s32 $0x7;
	s22 =	simm.s32 $0x4  }
0x8: {  	s23 =	simm.s32 $0x8;
	s24 =	simm.s32 $0x0;
	s9 =	smul.u32 $0x640000, s0  }
0x9: {  	s6 =	sand.u32 $0x1, s1;
	s5 =	sshll.u32 s0, $0x1;
	s29 =	smul.u32 $0xC8000, s0  }
0xa: {  	[smem:$0x7FF] =	sst s3;
	s5 =	sor.u32 s6, s5;
	s10 =	smul.u32 $0x320000, s6  }
0xb: {  	_ =	strace $0x80000047;
	s7 =	ssub.s32 $0x2, s6;
	s5 =	smul.u32 $0xC80, s5  }
0xc: {  	s30 =	smul.u32 $0x64000, s6;
	s26 =	sshrl.u32 s7, $0x1;
	s9 =	sadd.s32 s10, s9  }
0xd: {  	s10 =	simm.s32 $0x80;
	s4 =	sadd.s32 s5, s4;
	s5 =	ssub.s32 s7, s26  }
0xe: {  	s31 =	sshrl.u32 s9, $0x3;
	s7 =	sadd.s32 s29, s8;
	s9 =	sor.u32 $0xC000, s9  }
0xf: {  	s28 =	sadd.s32 $0x400, s4;
	s5 =	smax.u32 s5, $0x1;
	s6 =	sadd.s32 s31, s8  }
0x10: {  	s7 =	sadd.s32 s30, s7;
	s9 =	sshrl.u32 s9, $0x3;
	[dreg:$0x4] =	wrdreg s28  }
0x11: {  	s7 =	sadd.s32 $0x1000, s7;
	s8 =	sadd.s32 s9, s8;
	s9 =	simm.s32 $0x9  }
.LBB2_1:
0x12: {  	s0 =	rddreg [dreg:$0x4]  }
0x13: {  	[tilespmem:s3], [sflag:$0x9] =	stream.linear.gather [hbm4b:s0+s3], $0x6400, $0x38;
	[tilespmem:$0x16400] =	vst v63  }
0x14: {  	_ =	swait.ge [sflag:s9], $0x6400  }
0x15: {  	[sflag:s9] =	ssyncset.done $0x0  }
0x16: {  	[sflag:s9] =	ssyncadd.s32 $0xFFFF9C00  }
0x17: {  	[tilespmem:s11], [sflag:$0x1] =	stream.indirect.gather [hbm4b:s2+s10], $0x80, s3, s10, $0xb8;
	[tilespmem:$0x16400] =	vst v63  }
0x18: {  	p0 =	por $0x1, $0x1  }
0x19: {  	[tilespmem:s12], [sflag:$0x2] =	stream.indirect.gather [hbm4b:s2+s10], $0x80, s10, s10, $0xb8;
	[tilespmem:$0x16400] =	vst v63  }
0x1a: {  	s4 =	simm.s32 $0x100;
	s25 =	simm.s32 @!p0 $0x8  }
0x1b: {  	[tilespmem:s14], [sflag:$0x3] =	stream.indirect.gather [hbm4b:s2+s10], $0x80, s4, s10, $0xb8;
	[tilespmem:$0x16400] =	vst v63  }
0x1c: {  	_ =	swait.ge @!p0 [sflag:s25], $0x4000  }
0x1d: {  	[sflag:s25] =	ssyncset.done @!p0 $0x0  }
0x1e: {  	s13 =	simm.s32 $0x180;
	[sflag:s25] =	ssyncadd.s32 @!p0 $0xFFFFC000  }
0x1f: {  	[tilespmem:s15], [sflag:$0x4] =	stream.indirect.gather [hbm4b:s2+s10], $0x80, s13, s10, $0xb8;
	[tilespmem:$0x16400] =	vst v63  }
0x20: {  	_ =	swait.ge [sflag:s16], $0x4000  }
0x21: {  	[sflag:s16] =	ssyncset.done $0x0  }
0x22: {  	[sflag:s16] =	ssyncadd.s32 $0xFFFFC000  }
0x23: {  	[hbm4b:s6+s3] =	stream.linear.scatter [tilespmem:s11], [sflag:$0x5], $0x4000, $0x38;
	[tilespmem:$0x16400] =	vst v63  }
0x24: {  	p0 =	por $0x0, $0x0;
	_ =	swait.ge [sflag:s17], $0x4000  }
0x25: {  	s25 =	simm.s32 @!p0 $0x6400;
	[sflag:s17] =	ssyncset.done $0x0  }
0x26: {  	s26 =	simm.s32 @!p0 $0x200;
	s29 =	simm.s32 @!p0 $0x80;
	[sflag:s17] =	ssyncadd.s32 $0xFFFFC000  }
0x27: {  	[tilespmem:s25], [sflag:$0x1] =	stream.indirect.gather @!p0 [hbm4b:s2+s29], $0x80, s26, s29, $0xb8;
	[tilespmem:$0x16400] =	vst v63  }
0x28: {  	_ =	swait.ge [sflag:s18], $0x4000  }
0x29: {  	[sflag:s18] =	ssyncset.done $0x0  }
0x2a: {  	s26 =	sadd.s32 $0xFFFFF800, s7;
	[sflag:s18] =	ssyncadd.s32 $0xFFFFC000  }
0x2b: {  	[hbm4b:s26+s3] =	stream.linear.scatter [tilespmem:s12], [sflag:$0x6], $0x4000, $0x38;
	[tilespmem:$0x16400] =	vst v63  }
0x2c: {  	_ =	swait.ge [sflag:s19], $0x4000  }
0x2d: {  	[sflag:s19] =	ssyncset.done $0x0  }
0x2e: {  	s25 =	simm.s32 @!p0 $0x280;
	s26 =	simm.s32 @!p0 $0xA400;
	[sflag:s19] =	ssyncadd.s32 $0xFFFFC000  }
0x2f: {  	[tilespmem:s26], [sflag:$0x2] =	stream.indirect.gather @!p0 [hbm4b:s2+s29], $0x80, s25, s29, $0xb8;
	[tilespmem:$0x16400] =	vst v63  }
0x30: {  	_ =	swait.ge [sflag:s20], $0x4000  }
0x31: {  	[sflag:s20] =	ssyncset.done $0x0  }
0x32: {  	[sflag:s20] =	ssyncadd.s32 $0xFFFFC000  }
0x33: {  	[hbm4b:s7+s3] =	stream.linear.scatter [tilespmem:s14], [sflag:$0x7], $0x4000, $0x38;
	[tilespmem:$0x16400] =	vst v63  }
0x34: {  	s28 =	simm.s32 $0x800;
	_ =	swait.ge [sflag:s21], $0x4000  }
0x35: {  	s30 =	simm.s32 $0x1000;
	p1 =	por $0x0, $0x0;
	[sflag:s21] =	ssyncset.done $0x0  }
0x36: {  	s25 =	simm.s32 @!p0 $0x300;
	s26 =	simm.s32 @!p0 $0xE400;
	[sflag:s21] =	ssyncadd.s32 $0xFFFFC000  }
0x37: {  	[tilespmem:s26], [sflag:$0x3] =	stream.indirect.gather @!p0 [hbm4b:s2+s29], $0x80, s25, s29, $0xb8;
	[tilespmem:$0x16400] =	vst v63  }
0x38: {  	s31 =	smov.u32 s8;
	s26 =	sadd.s32 $0x2000, s7;
	_ =	swait.ge [sflag:s22], $0x4000  }
0x39: {  	s25 =	sadd.s32 $0x2000, s8;
	s29 =	sadd.s32 $0x2000, s6;
	[sflag:s22] =	ssyncset.done $0x0  }
.LBB2_2:
0x3a: {  	s1 =	simm.s32 @!p1 $0x8  }
0x3b: {  	[sflag:s22] =	ssyncadd.s32 $0xFFFFC000;
	s0 =	smov.u32 s30;
	s30 =	sadd.s32 $0x800, s30  }
0x3c: {  	[hbm4b:s31+s3] =	stream.linear.scatter [tilespmem:s15], [sflag:$0x8], $0x4000, $0x38;
	[tilespmem:$0x16400] =	vst v63  }
0x3d: {  	p0 =	sne.s32 s30, $0x19000;
	s31 =	smov.u32 s25;
	_ =	swait.ge @!p1 [sflag:s1], $0x4000  }
0x3e: {  	s13 =	sshra.s32 s28, $0x2;
	[sflag:s1] =	ssyncset.done @!p1 $0x0  }
0x3f: {  	[sflag:s1] =	ssyncadd.s32 @!p1 $0xFFFFC000;
	s1 =	sadd.s32 $0x180, s13  }
0x40: {  	[tilespmem:s15], [sflag:$0x4] =	stream.indirect.gather [hbm4b:s2+s10], $0x80, s1, s10, $0xb8;
	[tilespmem:$0x16400] =	vst v63  }
0x41: {  	_ =	swait.ge [sflag:s16], $0x4000  }
0x42: {  	[sflag:s16] =	ssyncset.done $0x0  }
0x43: {  	[sflag:s16] =	ssyncadd.s32 $0xFFFFC000  }
0x44: {  	[hbm4b:s29+s3] =	stream.linear.scatter [tilespmem:s11], [sflag:$0x5], $0x4000, $0x38;
	[tilespmem:$0x16400] =	vst v63  }
0x45: {  	p1 =	seq.s32 s28, $0x18800;
	_ =	swait.ge [sflag:s17], $0x4000  }
0x46: {  	s1 =	sshra.s32 @!p1 s28, $0x2;
	s13 =	simm.s32 @!p1 $0x6400;
	[sflag:s17] =	ssyncset.done $0x0  }
0x47: {  	s4 =	simm.s32 @!p1 $0x80;
	s28 =	sadd.s32 @!p1 $0x200, s1;
	[sflag:s17] =	ssyncadd.s32 $0xFFFFC000  }
0x48: {  	[tilespmem:s13], [sflag:$0x1] =	stream.indirect.gather @!p1 [hbm4b:s2+s4], $0x80, s28, s4, $0xb8;
	[tilespmem:$0x16400] =	vst v63  }
0x49: {  	s13 =	sadd.s32 @!p1 $0x280, s1;
	s1 =	sadd.s32 @!p1 $0x300, s1;
	_ =	swait.ge [sflag:s18], $0x4000  }
0x4a: {  	s28 =	smov.u32 s0;
	[sflag:s18] =	ssyncset.done $0x0  }
0x4b: {  	s0 =	sadd.s32 $0xFFFFF800, s26;
	[sflag:s18] =	ssyncadd.s32 $0xFFFFC000  }
0x4c: {  	[hbm4b:s0+s3] =	stream.linear.scatter [tilespmem:s12], [sflag:$0x6], $0x4000, $0x38;
	[tilespmem:$0x16400] =	vst v63  }
0x4d: {  	_ =	swait.ge [sflag:s19], $0x4000  }
0x4e: {  	[sflag:s19] =	ssyncset.done $0x0  }
0x4f: {  	s0 =	simm.s32 @!p1 $0xA400;
	[sflag:s19] =	ssyncadd.s32 $0xFFFFC000  }
0x50: {  	[tilespmem:s0], [sflag:$0x2] =	stream.indirect.gather @!p1 [hbm4b:s2+s4], $0x80, s13, s4, $0xb8;
	[tilespmem:$0x16400] =	vst v63  }
0x51: {  	_ =	swait.ge [sflag:s20], $0x4000  }
0x52: {  	[sflag:s20] =	ssyncset.done $0x0  }
0x53: {  	[sflag:s20] =	ssyncadd.s32 $0xFFFFC000  }
0x54: {  	[hbm4b:s26+s3] =	stream.linear.scatter [tilespmem:s14], [sflag:$0x7], $0x4000, $0x38;
	[tilespmem:$0x16400] =	vst v63  }
0x55: {  	_ =	swait.ge [sflag:s21], $0x4000  }
.Ltmp0:
0x56: {  	[sflag:s21] =	ssyncset.done $0x0;
	(pc) =	sbr.rel @p0 .LBB2_2-.Ltmp0, $4  }
0x57: {  	s0 =	simm.s32 @!p1 $0xE400;
	[sflag:s21] =	ssyncadd.s32 $0xFFFFC000  }
0x58: {  	[tilespmem:s0], [sflag:$0x3] =	stream.indirect.gather @!p1 [hbm4b:s2+s4], $0x80, s1, s4, $0xb8;
	[tilespmem:$0x16400] =	vst v63  }
0x59: {  	s25 =	sadd.s32 $0x2000, s25;
	s26 =	sadd.s32 $0x2000, s26;
	_ =	swait.ge [sflag:s22], $0x4000  }
0x5a: {  	s29 =	sadd.s32 $0x2000, s29;
	p1 =	seq.s32 s28, $0x0;
	[sflag:s22] =	ssyncset.done $0x0  }
0x5b: {  	s0 =	simm.s32 @!p1 $0x8;
	[sflag:s22] =	ssyncadd.s32 $0xFFFFC000  }
0x5c: {  	[hbm4b:s31+s3] =	stream.linear.scatter [tilespmem:s15], [sflag:$0x8], $0x4000, $0x38;
	[tilespmem:$0x16400] =	vst v63  }
0x5d: {  	_ =	swait.ge @!p1 [sflag:s0], $0x4000  }
0x5e: {  	s1 =	sshra.s32 s28, $0x2;
	[sflag:s0] =	ssyncset.done @!p1 $0x0  }
0x5f: {  	s30 =	sadd.s32 $0x180, s1;
	[sflag:s0] =	ssyncadd.s32 @!p1 $0xFFFFC000  }
0x60: {  	[tilespmem:s15], [sflag:$0x4] =	stream.indirect.gather [hbm4b:s2+s10], $0x80, s30, s10, $0xb8;
	[tilespmem:$0x16400] =	vst v63  }
0x61: {  	_ =	swait.ge [sflag:s16], $0x4000  }
0x62: {  	[sflag:s16] =	ssyncset.done $0x0  }
0x63: {  	[sflag:s16] =	ssyncadd.s32 $0xFFFFC000  }
0x64: {  	[hbm4b:s29+s3] =	stream.linear.scatter [tilespmem:s11], [sflag:$0x5], $0x4000, $0x38;
	[tilespmem:$0x16400] =	vst v63  }
0x65: {  	p0 =	seq.s32 s28, $0x18800;
	_ =	swait.ge [sflag:s17], $0x4000  }
0x66: {  	s1 =	simm.s32 @!p0 $0x6400;
	s0 =	sshra.s32 @!p0 s28, $0x2;
	[sflag:s17] =	ssyncset.done $0x0  }
0x67: {  	s13 =	simm.s32 @!p0 $0x80;
	s4 =	sadd.s32 @!p0 $0x200, s0;
	[sflag:s17] =	ssyncadd.s32 $0xFFFFC000  }
0x68: {  	[tilespmem:s1], [sflag:$0x1] =	stream.indirect.gather @!p0 [hbm4b:s2+s13], $0x80, s4, s13, $0xb8;
	[tilespmem:$0x16400] =	vst v63  }
0x69: {  	_ =	swait.ge [sflag:s18], $0x4000  }
0x6a: {  	[sflag:s18] =	ssyncset.done $0x0  }
0x6b: {  	s31 =	sadd.s32 $0xFFFFF800, s26;
	[sflag:s18] =	ssyncadd.s32 $0xFFFFC000  }
0x6c: {  	[hbm4b:s31+s3] =	stream.linear.scatter [tilespmem:s12], [sflag:$0x6], $0x4000, $0x38;
	[tilespmem:$0x16400] =	vst v63  }
0x6d: {  	_ =	swait.ge [sflag:s19], $0x4000  }
0x6e: {  	[sflag:s19] =	ssyncset.done $0x0  }
0x6f: {  	s1 =	sadd.s32 @!p0 $0x280, s0;
	s4 =	simm.s32 @!p0 $0xA400;
	[sflag:s19] =	ssyncadd.s32 $0xFFFFC000  }
0x70: {  	[tilespmem:s4], [sflag:$0x2] =	stream.indirect.gather @!p0 [hbm4b:s2+s13], $0x80, s1, s13, $0xb8;
	[tilespmem:$0x16400] =	vst v63  }
0x71: {  	_ =	swait.ge [sflag:s20], $0x4000  }
0x72: {  	[sflag:s20] =	ssyncset.done $0x0  }
0x73: {  	[sflag:s20] =	ssyncadd.s32 $0xFFFFC000  }
0x74: {  	[hbm4b:s26+s3] =	stream.linear.scatter [tilespmem:s14], [sflag:$0x7], $0x4000, $0x38;
	[tilespmem:$0x16400] =	vst v63  }
0x75: {  	_ =	swait.ge [sflag:s21], $0x4000  }
0x76: {  	[sflag:s21] =	ssyncset.done $0x0  }
0x77: {  	s0 =	sadd.s32 @!p0 $0x300, s0;
	s1 =	simm.s32 @!p0 $0xE400;
	[sflag:s21] =	ssyncadd.s32 $0xFFFFC000  }
0x78: {  	[tilespmem:s1], [sflag:$0x3] =	stream.indirect.gather @!p0 [hbm4b:s2+s13], $0x80, s0, s13, $0xb8;
	[tilespmem:$0x16400] =	vst v63  }
0x79: {  	s24 =	sadd.s32 $0x1, s24;
	_ =	swait.ge [sflag:s22], $0x4000  }
0x7a: {  	p0 =	sne.s32 s24, s5;
	[sflag:s22] =	ssyncset.done $0x0  }
.Ltmp1:
0x7b: {  	[sflag:s22] =	ssyncadd.s32 $0xFFFFC000;
	(pc) =	sbr.rel @p0 .LBB2_1-.Ltmp1, $4  }
0x7c: {  	[hbm4b:s25+s3] =	stream.linear.scatter [tilespmem:s15], [sflag:$0x8], $0x4000, $0x38;
	[tilespmem:$0x16400] =	vst v63  }
0x7d: {  	_ =	swait.ge [sflag:s23], $0x4000  }
0x7e: {  	[sflag:s23] =	ssyncset.done $0x0  }
0x7f: {  	[sflag:s23] =	ssyncadd.s32 $0xFFFFC000  }
0x80: {  	_ =	sfence.sel $0x180000  }
0x81: {  	[bflag:$0x0] =	sbarrier.arrive $0xFFFF  }
0x82: {  	_ =	strace $0x90000047  }
0x83: {  	s0 =	stileid.u32;
	[bflag:$0x2] =	sbarrier.arrive $0xFFFF  }
0x84: {  	p0 =	sne.s32 s0, $0x0;
	s0 =	rddreg [dreg:$0x3]  }
0x85: {  	s0 =	sadd.s32 @!p0 $0x100000, s0  }
0x86: {  	[sflag:s0] =	ssyncadd.tile.s32 @!p0 $0x1;
	_ =	shalt  }
.Lfunc_end2:
_tile_overlayer_lowered:
.L_overlay_start_2:
0x87: {  	(tag) =	ssettag $0x2  }
0x88: {  	s0 =	rddreg [dreg:$0x0];
	s2 =	stileid.u32  }
0x89: {  	s1 =	rddreg [dreg:$0x1];
	p0 =	sne.s32 s2, $0x0  }
0x8a: {  	s3 =	rddreg [dreg:$0x2];
	[bflag:$0x3] =	sbarrier.arrive $0xFFFF;
	s2 =	simm.s32 @!p0 $0x1C09  }
0x8b: {  	[timem:s3], [sflag:s2] =	dma.local @!p0 [hbm:s0], s1  }
0x8c: {  	s0 =	simm.s32 @!p0 $0x9  }
0x8d: {  	_ =	swait.ge @!p0 [sflag:s0], s1  }
0x8e: {  	s1 =	ssub.s32 @!p0 $0x0, s1;
	[sflag:s0] =	ssyncset.done @!p0 $0x0  }
0x8f: {  	[sflag:s0] =	ssyncadd.s32 @!p0 s1  }
0x90: {  	[bflag:$0x3] =	sbarrier.arrive $0xFFFF  }
0x91: {  	_ =	shalt  }

</sc_bundles>
